<compile_context>
chip_gen: v7x
topology: tpu7x:2x2x1
jax: 0.10.2.dev20260603
libtpu: 0.0.44.dev20260713+nightly
codegen_flags: <defaults>
</compile_context>

<pallas_src>
import functools
import jax
from jax import lax
from jax.experimental import pallas as pl
from jax.experimental.pallas import tpu as pltpu
from jax.experimental.pallas import tpu_sc as plsc

_info = plsc.get_sparse_core_info()
_NC, _NS = _info.num_cores, _info.num_subcores
_NW = _NC * _NS

_CHUNK = 16
_NBUF = 3


def kernel(x, W_pos):
    seq_len, d_model = W_pos.shape
    rows_per_w = seq_len // _NW
    nchunk = rows_per_w // _CHUNK
    ngroup = nchunk // _NBUF
    mesh = plsc.VectorSubcoreMesh(core_axis_name="c", subcore_axis_name="s")

    @functools.partial(
        pl.kernel,
        mesh=mesh,
        out_type=jax.ShapeDtypeStruct((seq_len, d_model), W_pos.dtype),
        scratch_types=[
            pltpu.MemorySpace.VMEM_SHARED((_NS, _NBUF, _CHUNK, d_model), W_pos.dtype),
            pltpu.SemaphoreType.DMA((_NBUF,)),
            pltpu.SemaphoreType.DMA((_NBUF,)),
        ],
    )
    def k(w_hbm, out_hbm, buf, insem, outsem):
        sid = lax.axis_index("s")
        wid = sid * _NC + lax.axis_index("c")
        base = wid * rows_per_w

        def in_copy(c, b):
            return pltpu.make_async_copy(
                w_hbm.at[pl.ds(base + c * _CHUNK, _CHUNK)],
                buf.at[sid, b],
                insem.at[b],
            )

        def out_copy(c, b):
            return pltpu.make_async_copy(
                buf.at[sid, b],
                out_hbm.at[pl.ds(base + c * _CHUNK, _CHUNK)],
                outsem.at[b],
            )

        def body(g, _):
            for b in range(_NBUF):
                c = g * _NBUF + b

                @pl.when(g > 0)
                def _():
                    out_copy(c - _NBUF, b).wait()

                in_copy(c, b).start()
            for b in range(_NBUF):
                c = g * _NBUF + b
                in_copy(c, b).wait()
                out_copy(c, b).start()
            return 0

        lax.fori_loop(0, ngroup, body, 0)
        ndone = ngroup * _NBUF
        for i, c in enumerate(range(ndone, nchunk)):
            b = c - _NBUF * (c // _NBUF)
            out_copy(c - _NBUF, b).wait()
            in_copy(c, b).start()
            in_copy(c, b).wait()
            out_copy(c, b).start()
        for c in range(nchunk - _NBUF, nchunk):
            b = c - _NBUF * (c // _NBUF)
            out_copy(c, b).wait()

    return k(W_pos)

# --- scband reference (transcript-rebuilt; emitter-appended) ---
"""Pipeline reference for scband-time-embed-34608846471533 (READ-ONLY COPY).

The authoritative reference and input builder live on the scoring server;
editing this copy changes nothing except your own understanding.
"""

import jax, jax.numpy as jnp
import numpy as np

SEQ_LEN = 8192
D_MODEL = 2048

def setup_inputs(seed: int = 0) -> dict:
    key = jax.random.key(seed)
    k1, k2 = jax.random.split(key)
    x = jax.random.normal(k1, (2, SEQ_LEN, D_MODEL), dtype=jnp.float32)
    W_pos = jax.random.normal(k2, (SEQ_LEN, D_MODEL), dtype=jnp.float32) * 0.02
    return {"x": x, "W_pos": W_pos}

def reference(x, W_pos):
    seq_len = x.shape[1]
    positions = jnp.arange(0, seq_len, dtype=jnp.int32)
    embedded_pos = jnp.take(W_pos, positions, axis=0)
    return embedded_pos

if __name__ == "__main__":
    import jax
    _d = setup_inputs()
    print(jax.jit(kernel)(*tuple(_d.values())))

</pallas_src>

<mosaic_0001>
#map = affine_map<(d0, d1) -> (0, 0)>
module attributes {stable_mosaic.version = 14 : i64} {
  func.func @k(%arg0: i32, %arg1: i32, %arg2: memref<8192x2048xf32, #tpu.memory_space<hbm>>, %arg3: memref<8192x2048xf32, #tpu.memory_space<hbm>>, %arg4: memref<16x3x16x2048xf32, #tpu.memory_space<vmem_shared>>, %arg5: memref<3x!tpu.dma_semaphore, #tpu.memory_space<semaphore_mem>>, %arg6: memref<3x!tpu.dma_semaphore, #tpu.memory_space<semaphore_mem>>) attributes {dimension_semantics = [#tpu.dimension_semantics<core_parallel>, #tpu.dimension_semantics<subcore_parallel>], iteration_bounds = array<i64: 2, 16>, scalar_prefetch = 0 : i64, scratch_operands = 3 : i64, tpu.core_type = #tpu.core_type<sc_vector_subcore>, window_params = [{transform_indices = #map}, {transform_indices = #map}]} {
    %mul3A = arith.constant 2 : i32
    %mul3A_0 = arith.muli %arg1, %mul3A : i32
    %add3A = arith.addi %mul3A_0, %arg0 : i32
    %mul3A_1 = arith.constant 256 : i32
    %mul3A_2 = arith.muli %add3A, %mul3A_1 : i32
    %scan3A = arith.constant 0 : i32
    %scan3A_3 = arith.constant 0 : i32
    %scan3A_4 = arith.constant 5 : i32
    %scan3A_5 = arith.addi %scan3A_3, %scan3A_4 : i32
    %scan3A_6 = arith.constant 1 : i32
    %scan3A_7 = scf.for %scan3A_91 = %scan3A_3 to %scan3A_5 step %scan3A_6 iter_args(%scan3A_92 = %scan3A) -> (i32)  : i32 {
      %mul3A_93 = arith.constant 3 : i32
      %mul3A_94 = arith.muli %scan3A_91, %mul3A_93 : i32
      %add3A_95 = arith.constant 0 : i32
      %add3A_96 = arith.addi %mul3A_94, %add3A_95 : i32
      %gt3A = arith.constant 0 : i32
      %gt3A_97 = arith.cmpi sgt, %scan3A_91, %gt3A : i32
      %convert_element_type3A = arith.extui %gt3A_97 : i1 to i32
      %cond3A = arith.constant 0 : i32
      %cond3A_98 = arith.cmpi ne, %convert_element_type3A, %cond3A : i32
      scf.if %cond3A_98 {
        %sub3A = arith.constant 3 : i32
        %sub3A_247 = arith.subi %add3A_96, %sub3A : i32
        %mul3A_248 = arith.constant 16 : i32
        %mul3A_249 = arith.muli %sub3A_247, %mul3A_248 : i32
        %add3A_250 = arith.addi %mul3A_2, %mul3A_249 : i32
        %dma_wait3A_251 = arith.constant 0 : i32
        %dma_wait3A_252 = arith.constant 0 : i32
        %dma_wait3A_253 = tpu.memref_slice %arg6[%dma_wait3A_252] : memref<3x!tpu.dma_semaphore, #tpu.memory_space<semaphore_mem>> -> memref<1x!tpu.dma_semaphore, #tpu.memory_space<semaphore_mem>>
        %dma_wait3A_254 = tpu.memref_squeeze %dma_wait3A_253 : memref<1x!tpu.dma_semaphore, #tpu.memory_space<semaphore_mem>> -> memref<!tpu.dma_semaphore, #tpu.memory_space<semaphore_mem>>
        %dma_wait3A_255 = arith.constant 0 : i32
        %dma_wait3A_256 = tpu.memref_slice %arg3[%add3A_250, %dma_wait3A_255] : memref<8192x2048xf32, #tpu.memory_space<hbm>> -> memref<16x2048xf32, #tpu.memory_space<hbm>>
        %dma_wait3A_257 = arith.constant 0 : i32
        %dma_wait3A_258 = arith.constant 0 : i32
        %dma_wait3A_259 = tpu.memref_slice %arg4[%arg1, %dma_wait3A_251, %dma_wait3A_257, %dma_wait3A_258] : memref<16x3x16x2048xf32, #tpu.memory_space<vmem_shared>> -> memref<1x1x16x2048xf32, #tpu.memory_space<vmem_shared>>
        %dma_wait3A_260 = tpu.memref_squeeze %dma_wait3A_259 : memref<1x1x16x2048xf32, #tpu.memory_space<vmem_shared>> -> memref<16x2048xf32, #tpu.memory_space<vmem_shared>>
        tpu.wait_dma2 semaphore(%dma_wait3A_254 : memref<!tpu.dma_semaphore, #tpu.memory_space<semaphore_mem>>) src(%dma_wait3A_260 : memref<16x2048xf32, #tpu.memory_space<vmem_shared>>) dst(%dma_wait3A_256 : memref<16x2048xf32, #tpu.memory_space<hbm>>)
      } else {
      }
      %mul3A_99 = arith.constant 16 : i32
      %mul3A_100 = arith.muli %add3A_96, %mul3A_99 : i32
      %add3A_101 = arith.addi %mul3A_2, %mul3A_100 : i32
      %dma_start3A_102 = arith.constant 0 : i32
      %dma_start3A_103 = arith.constant 0 : i32
      %dma_start3A_104 = tpu.memref_slice %arg5[%dma_start3A_103] : memref<3x!tpu.dma_semaphore, #tpu.memory_space<semaphore_mem>> -> memref<1x!tpu.dma_semaphore, #tpu.memory_space<semaphore_mem>>
      %dma_start3A_105 = tpu.memref_squeeze %dma_start3A_104 : memref<1x!tpu.dma_semaphore, #tpu.memory_space<semaphore_mem>> -> memref<!tpu.dma_semaphore, #tpu.memory_space<semaphore_mem>>
      %dma_start3A_106 = arith.constant 0 : i32
      %dma_start3A_107 = arith.constant 0 : i32
      %dma_start3A_108 = tpu.memref_slice %arg4[%arg1, %dma_start3A_102, %dma_start3A_106, %dma_start3A_107] : memref<16x3x16x2048xf32, #tpu.memory_space<vmem_shared>> -> memref<1x1x16x2048xf32, #tpu.memory_space<vmem_shared>>
      %dma_start3A_109 = tpu.memref_squeeze %dma_start3A_108 : memref<1x1x16x2048xf32, #tpu.memory_space<vmem_shared>> -> memref<16x2048xf32, #tpu.memory_space<vmem_shared>>
      %dma_start3A_110 = arith.constant 0 : i32
      %dma_start3A_111 = tpu.memref_slice %arg2[%add3A_101, %dma_start3A_110] : memref<8192x2048xf32, #tpu.memory_space<hbm>> -> memref<16x2048xf32, #tpu.memory_space<hbm>>
      tpu.enqueue_dma source(%dma_start3A_111 : memref<16x2048xf32, #tpu.memory_space<hbm>>) target(%dma_start3A_109 : memref<16x2048xf32, #tpu.memory_space<vmem_shared>>) target_semaphore(%dma_start3A_105 : memref<!tpu.dma_semaphore, #tpu.memory_space<semaphore_mem>>)
      %mul3A_112 = arith.constant 3 : i32
      %mul3A_113 = arith.muli %scan3A_91, %mul3A_112 : i32
      %add3A_114 = arith.constant 1 : i32
      %add3A_115 = arith.addi %mul3A_113, %add3A_114 : i32
      %gt3A_116 = arith.constant 0 : i32
      %gt3A_117 = arith.cmpi sgt, %scan3A_91, %gt3A_116 : i32
      %convert_element_type3A_118 = arith.extui %gt3A_117 : i1 to i32
      %cond3A_119 = arith.constant 0 : i32
      %cond3A_120 = arith.cmpi ne, %convert_element_type3A_118, %cond3A_119 : i32
      scf.if %cond3A_120 {
        %sub3A = arith.constant 3 : i32
        %sub3A_247 = arith.subi %add3A_115, %sub3A : i32
        %mul3A_248 = arith.constant 16 : i32
        %mul3A_249 = arith.muli %sub3A_247, %mul3A_248 : i32
        %add3A_250 = arith.addi %mul3A_2, %mul3A_249 : i32
        %dma_wait3A_251 = arith.constant 1 : i32
        %dma_wait3A_252 = arith.constant 1 : i32
        %dma_wait3A_253 = tpu.memref_slice %arg6[%dma_wait3A_252] : memref<3x!tpu.dma_semaphore, #tpu.memory_space<semaphore_mem>> -> memref<1x!tpu.dma_semaphore, #tpu.memory_space<semaphore_mem>>
        %dma_wait3A_254 = tpu.memref_squeeze %dma_wait3A_253 : memref<1x!tpu.dma_semaphore, #tpu.memory_space<semaphore_mem>> -> memref<!tpu.dma_semaphore, #tpu.memory_space<semaphore_mem>>
        %dma_wait3A_255 = arith.constant 0 : i32
        %dma_wait3A_256 = tpu.memref_slice %arg3[%add3A_250, %dma_wait3A_255] : memref<8192x2048xf32, #tpu.memory_space<hbm>> -> memref<16x2048xf32, #tpu.memory_space<hbm>>
        %dma_wait3A_257 = arith.constant 0 : i32
        %dma_wait3A_258 = arith.constant 0 : i32
        %dma_wait3A_259 = tpu.memref_slice %arg4[%arg1, %dma_wait3A_251, %dma_wait3A_257, %dma_wait3A_258] : memref<16x3x16x2048xf32, #tpu.memory_space<vmem_shared>> -> memref<1x1x16x2048xf32, #tpu.memory_space<vmem_shared>>
        %dma_wait3A_260 = tpu.memref_squeeze %dma_wait3A_259 : memref<1x1x16x2048xf32, #tpu.memory_space<vmem_shared>> -> memref<16x2048xf32, #tpu.memory_space<vmem_shared>>
        tpu.wait_dma2 semaphore(%dma_wait3A_254 : memref<!tpu.dma_semaphore, #tpu.memory_space<semaphore_mem>>) src(%dma_wait3A_260 : memref<16x2048xf32, #tpu.memory_space<vmem_shared>>) dst(%dma_wait3A_256 : memref<16x2048xf32, #tpu.memory_space<hbm>>)
      } else {
      }
      %mul3A_121 = arith.constant 16 : i32
      %mul3A_122 = arith.muli %add3A_115, %mul3A_121 : i32
      %add3A_123 = arith.addi %mul3A_2, %mul3A_122 : i32
      %dma_start3A_124 = arith.constant 1 : i32
      %dma_start3A_125 = arith.constant 1 : i32
      %dma_start3A_126 = tpu.memref_slice %arg5[%dma_start3A_125] : memref<3x!tpu.dma_semaphore, #tpu.memory_space<semaphore_mem>> -> memref<1x!tpu.dma_semaphore, #tpu.memory_space<semaphore_mem>>
      %dma_start3A_127 = tpu.memref_squeeze %dma_start3A_126 : memref<1x!tpu.dma_semaphore, #tpu.memory_space<semaphore_mem>> -> memref<!tpu.dma_semaphore, #tpu.memory_space<semaphore_mem>>
      %dma_start3A_128 = arith.constant 0 : i32
      %dma_start3A_129 = arith.constant 0 : i32
      %dma_start3A_130 = tpu.memref_slice %arg4[%arg1, %dma_start3A_124, %dma_start3A_128, %dma_start3A_129] : memref<16x3x16x2048xf32, #tpu.memory_space<vmem_shared>> -> memref<1x1x16x2048xf32, #tpu.memory_space<vmem_shared>>
      %dma_start3A_131 = tpu.memref_squeeze %dma_start3A_130 : memref<1x1x16x2048xf32, #tpu.memory_space<vmem_shared>> -> memref<16x2048xf32, #tpu.memory_space<vmem_shared>>
      %dma_start3A_132 = arith.constant 0 : i32
      %dma_start3A_133 = tpu.memref_slice %arg2[%add3A_123, %dma_start3A_132] : memref<8192x2048xf32, #tpu.memory_space<hbm>> -> memref<16x2048xf32, #tpu.memory_space<hbm>>
      tpu.enqueue_dma source(%dma_start3A_133 : memref<16x2048xf32, #tpu.memory_space<hbm>>) target(%dma_start3A_131 : memref<16x2048xf32, #tpu.memory_space<vmem_shared>>) target_semaphore(%dma_start3A_127 : memref<!tpu.dma_semaphore, #tpu.memory_space<semaphore_mem>>)
      %mul3A_134 = arith.constant 3 : i32
      %mul3A_135 = arith.muli %scan3A_91, %mul3A_134 : i32
      %add3A_136 = arith.constant 2 : i32
      %add3A_137 = arith.addi %mul3A_135, %add3A_136 : i32
      %gt3A_138 = arith.constant 0 : i32
      %gt3A_139 = arith.cmpi sgt, %scan3A_91, %gt3A_138 : i32
      %convert_element_type3A_140 = arith.extui %gt3A_139 : i1 to i32
      %cond3A_141 = arith.constant 0 : i32
      %cond3A_142 = arith.cmpi ne, %convert_element_type3A_140, %cond3A_141 : i32
      scf.if %cond3A_142 {
        %sub3A = arith.constant 3 : i32
        %sub3A_247 = arith.subi %add3A_137, %sub3A : i32
        %mul3A_248 = arith.constant 16 : i32
        %mul3A_249 = arith.muli %sub3A_247, %mul3A_248 : i32
        %add3A_250 = arith.addi %mul3A_2, %mul3A_249 : i32
        %dma_wait3A_251 = arith.constant 2 : i32
        %dma_wait3A_252 = arith.constant 2 : i32
        %dma_wait3A_253 = tpu.memref_slice %arg6[%dma_wait3A_252] : memref<3x!tpu.dma_semaphore, #tpu.memory_space<semaphore_mem>> -> memref<1x!tpu.dma_semaphore, #tpu.memory_space<semaphore_mem>>
        %dma_wait3A_254 = tpu.memref_squeeze %dma_wait3A_253 : memref<1x!tpu.dma_semaphore, #tpu.memory_space<semaphore_mem>> -> memref<!tpu.dma_semaphore, #tpu.memory_space<semaphore_mem>>
        %dma_wait3A_255 = arith.constant 0 : i32
        %dma_wait3A_256 = tpu.memref_slice %arg3[%add3A_250, %dma_wait3A_255] : memref<8192x2048xf32, #tpu.memory_space<hbm>> -> memref<16x2048xf32, #tpu.memory_space<hbm>>
        %dma_wait3A_257 = arith.constant 0 : i32
        %dma_wait3A_258 = arith.constant 0 : i32
        %dma_wait3A_259 = tpu.memref_slice %arg4[%arg1, %dma_wait3A_251, %dma_wait3A_257, %dma_wait3A_258] : memref<16x3x16x2048xf32, #tpu.memory_space<vmem_shared>> -> memref<1x1x16x2048xf32, #tpu.memory_space<vmem_shared>>
        %dma_wait3A_260 = tpu.memref_squeeze %dma_wait3A_259 : memref<1x1x16x2048xf32, #tpu.memory_space<vmem_shared>> -> memref<16x2048xf32, #tpu.memory_space<vmem_shared>>
        tpu.wait_dma2 semaphore(%dma_wait3A_254 : memref<!tpu.dma_semaphore, #tpu.memory_space<semaphore_mem>>) src(%dma_wait3A_260 : memref<16x2048xf32, #tpu.memory_space<vmem_shared>>) dst(%dma_wait3A_256 : memref<16x2048xf32, #tpu.memory_space<hbm>>)
      } else {
      }
      %mul3A_143 = arith.constant 16 : i32
      %mul3A_144 = arith.muli %add3A_137, %mul3A_143 : i32
      %add3A_145 = arith.addi %mul3A_2, %mul3A_144 : i32
      %dma_start3A_146 = arith.constant 2 : i32
      %dma_start3A_147 = arith.constant 2 : i32
      %dma_start3A_148 = tpu.memref_slice %arg5[%dma_start3A_147] : memref<3x!tpu.dma_semaphore, #tpu.memory_space<semaphore_mem>> -> memref<1x!tpu.dma_semaphore, #tpu.memory_space<semaphore_mem>>
      %dma_start3A_149 = tpu.memref_squeeze %dma_start3A_148 : memref<1x!tpu.dma_semaphore, #tpu.memory_space<semaphore_mem>> -> memref<!tpu.dma_semaphore, #tpu.memory_space<semaphore_mem>>
      %dma_start3A_150 = arith.constant 0 : i32
      %dma_start3A_151 = arith.constant 0 : i32
      %dma_start3A_152 = tpu.memref_slice %arg4[%arg1, %dma_start3A_146, %dma_start3A_150, %dma_start3A_151] : memref<16x3x16x2048xf32, #tpu.memory_space<vmem_shared>> -> memref<1x1x16x2048xf32, #tpu.memory_space<vmem_shared>>
      %dma_start3A_153 = tpu.memref_squeeze %dma_start3A_152 : memref<1x1x16x2048xf32, #tpu.memory_space<vmem_shared>> -> memref<16x2048xf32, #tpu.memory_space<vmem_shared>>
      %dma_start3A_154 = arith.constant 0 : i32
      %dma_start3A_155 = tpu.memref_slice %arg2[%add3A_145, %dma_start3A_154] : memref<8192x2048xf32, #tpu.memory_space<hbm>> -> memref<16x2048xf32, #tpu.memory_space<hbm>>
      tpu.enqueue_dma source(%dma_start3A_155 : memref<16x2048xf32, #tpu.memory_space<hbm>>) target(%dma_start3A_153 : memref<16x2048xf32, #tpu.memory_space<vmem_shared>>) target_semaphore(%dma_start3A_149 : memref<!tpu.dma_semaphore, #tpu.memory_space<semaphore_mem>>)
      %mul3A_156 = arith.constant 3 : i32
      %mul3A_157 = arith.muli %scan3A_91, %mul3A_156 : i32
      %add3A_158 = arith.constant 0 : i32
      %add3A_159 = arith.addi %mul3A_157, %add3A_158 : i32
      %mul3A_160 = arith.constant 16 : i32
      %mul3A_161 = arith.muli %add3A_159, %mul3A_160 : i32
      %add3A_162 = arith.addi %mul3A_2, %mul3A_161 : i32
      %dma_wait3A_163 = arith.constant 0 : i32
      %dma_wait3A_164 = arith.constant 0 : i32
      %dma_wait3A_165 = tpu.memref_slice %arg5[%dma_wait3A_164] : memref<3x!tpu.dma_semaphore, #tpu.memory_space<semaphore_mem>> -> memref<1x!tpu.dma_semaphore, #tpu.memory_space<semaphore_mem>>
      %dma_wait3A_166 = tpu.memref_squeeze %dma_wait3A_165 : memref<1x!tpu.dma_semaphore, #tpu.memory_space<semaphore_mem>> -> memref<!tpu.dma_semaphore, #tpu.memory_space<semaphore_mem>>
      %dma_wait3A_167 = arith.constant 0 : i32
      %dma_wait3A_168 = arith.constant 0 : i32
      %dma_wait3A_169 = tpu.memref_slice %arg4[%arg1, %dma_wait3A_163, %dma_wait3A_167, %dma_wait3A_168] : memref<16x3x16x2048xf32, #tpu.memory_space<vmem_shared>> -> memref<1x1x16x2048xf32, #tpu.memory_space<vmem_shared>>
      %dma_wait3A_170 = tpu.memref_squeeze %dma_wait3A_169 : memref<1x1x16x2048xf32, #tpu.memory_space<vmem_shared>> -> memref<16x2048xf32, #tpu.memory_space<vmem_shared>>
      %dma_wait3A_171 = arith.constant 0 : i32
      %dma_wait3A_172 = tpu.memref_slice %arg2[%add3A_162, %dma_wait3A_171] : memref<8192x2048xf32, #tpu.memory_space<hbm>> -> memref<16x2048xf32, #tpu.memory_space<hbm>>
      tpu.wait_dma2 semaphore(%dma_wait3A_166 : memref<!tpu.dma_semaphore, #tpu.memory_space<semaphore_mem>>) src(%dma_wait3A_172 : memref<16x2048xf32, #tpu.memory_space<hbm>>) dst(%dma_wait3A_170 : memref<16x2048xf32, #tpu.memory_space<vmem_shared>>)
      %mul3A_173 = arith.constant 16 : i32
      %mul3A_174 = arith.muli %add3A_159, %mul3A_173 : i32
      %add3A_175 = arith.addi %mul3A_2, %mul3A_174 : i32
      %dma_start3A_176 = arith.constant 0 : i32
      %dma_start3A_177 = arith.constant 0 : i32
      %dma_start3A_178 = tpu.memref_slice %arg6[%dma_start3A_177] : memref<3x!tpu.dma_semaphore, #tpu.memory_space<semaphore_mem>> -> memref<1x!tpu.dma_semaphore, #tpu.memory_space<semaphore_mem>>
      %dma_start3A_179 = tpu.memref_squeeze %dma_start3A_178 : memref<1x!tpu.dma_semaphore, #tpu.memory_space<semaphore_mem>> -> memref<!tpu.dma_semaphore, #tpu.memory_space<semaphore_mem>>
      %dma_start3A_180 = arith.constant 0 : i32
      %dma_start3A_181 = tpu.memref_slice %arg3[%add3A_175, %dma_start3A_180] : memref<8192x2048xf32, #tpu.memory_space<hbm>> -> memref<16x2048xf32, #tpu.memory_space<hbm>>
      %dma_start3A_182 = arith.constant 0 : i32
      %dma_start3A_183 = arith.constant 0 : i32
      %dma_start3A_184 = tpu.memref_slice %arg4[%arg1, %dma_start3A_176, %dma_start3A_182, %dma_start3A_183] : memref<16x3x16x2048xf32, #tpu.memory_space<vmem_shared>> -> memref<1x1x16x2048xf32, #tpu.memory_space<vmem_shared>>
      %dma_start3A_185 = tpu.memref_squeeze %dma_start3A_184 : memref<1x1x16x2048xf32, #tpu.memory_space<vmem_shared>> -> memref<16x2048xf32, #tpu.memory_space<vmem_shared>>
      tpu.enqueue_dma source(%dma_start3A_185 : memref<16x2048xf32, #tpu.memory_space<vmem_shared>>) target(%dma_start3A_181 : memref<16x2048xf32, #tpu.memory_space<hbm>>) target_semaphore(%dma_start3A_179 : memref<!tpu.dma_semaphore, #tpu.memory_space<semaphore_mem>>)
      %mul3A_186 = arith.constant 3 : i32
      %mul3A_187 = arith.muli %scan3A_91, %mul3A_186 : i32
      %add3A_188 = arith.constant 1 : i32
      %add3A_189 = arith.addi %mul3A_187, %add3A_188 : i32
      %mul3A_190 = arith.constant 16 : i32
      %mul3A_191 = arith.muli %add3A_189, %mul3A_190 : i32
      %add3A_192 = arith.addi %mul3A_2, %mul3A_191 : i32
      %dma_wait3A_193 = arith.constant 1 : i32
      %dma_wait3A_194 = arith.constant 1 : i32
      %dma_wait3A_195 = tpu.memref_slice %arg5[%dma_wait3A_194] : memref<3x!tpu.dma_semaphore, #tpu.memory_space<semaphore_mem>> -> memref<1x!tpu.dma_semaphore, #tpu.memory_space<semaphore_mem>>
      %dma_wait3A_196 = tpu.memref_squeeze %dma_wait3A_195 : memref<1x!tpu.dma_semaphore, #tpu.memory_space<semaphore_mem>> -> memref<!tpu.dma_semaphore, #tpu.memory_space<semaphore_mem>>
      %dma_wait3A_197 = arith.constant 0 : i32
      %dma_wait3A_198 = arith.constant 0 : i32
      %dma_wait3A_199 = tpu.memref_slice %arg4[%arg1, %dma_wait3A_193, %dma_wait3A_197, %dma_wait3A_198] : memref<16x3x16x2048xf32, #tpu.memory_space<vmem_shared>> -> memref<1x1x16x2048xf32, #tpu.memory_space<vmem_shared>>
      %dma_wait3A_200 = tpu.memref_squeeze %dma_wait3A_199 : memref<1x1x16x2048xf32, #tpu.memory_space<vmem_shared>> -> memref<16x2048xf32, #tpu.memory_space<vmem_shared>>
      %dma_wait3A_201 = arith.constant 0 : i32
      %dma_wait3A_202 = tpu.memref_slice %arg2[%add3A_192, %dma_wait3A_201] : memref<8192x2048xf32, #tpu.memory_space<hbm>> -> memref<16x2048xf32, #tpu.memory_space<hbm>>
      tpu.wait_dma2 semaphore(%dma_wait3A_196 : memref<!tpu.dma_semaphore, #tpu.memory_space<semaphore_mem>>) src(%dma_wait3A_202 : memref<16x2048xf32, #tpu.memory_space<hbm>>) dst(%dma_wait3A_200 : memref<16x2048xf32, #tpu.memory_space<vmem_shared>>)
      %mul3A_203 = arith.constant 16 : i32
      %mul3A_204 = arith.muli %add3A_189, %mul3A_203 : i32
      %add3A_205 = arith.addi %mul3A_2, %mul3A_204 : i32
      %dma_start3A_206 = arith.constant 1 : i32
      %dma_start3A_207 = arith.constant 1 : i32
      %dma_start3A_208 = tpu.memref_slice %arg6[%dma_start3A_207] : memref<3x!tpu.dma_semaphore, #tpu.memory_space<semaphore_mem>> -> memref<1x!tpu.dma_semaphore, #tpu.memory_space<semaphore_mem>>
      %dma_start3A_209 = tpu.memref_squeeze %dma_start3A_208 : memref<1x!tpu.dma_semaphore, #tpu.memory_space<semaphore_mem>> -> memref<!tpu.dma_semaphore, #tpu.memory_space<semaphore_mem>>
      %dma_start3A_210 = arith.constant 0 : i32
      %dma_start3A_211 = tpu.memref_slice %arg3[%add3A_205, %dma_start3A_210] : memref<8192x2048xf32, #tpu.memory_space<hbm>> -> memref<16x2048xf32, #tpu.memory_space<hbm>>
      %dma_start3A_212 = arith.constant 0 : i32
      %dma_start3A_213 = arith.constant 0 : i32
      %dma_start3A_214 = tpu.memref_slice %arg4[%arg1, %dma_start3A_206, %dma_start3A_212, %dma_start3A_213] : memref<16x3x16x2048xf32, #tpu.memory_space<vmem_shared>> -> memref<1x1x16x2048xf32, #tpu.memory_space<vmem_shared>>
      %dma_start3A_215 = tpu.memref_squeeze %dma_start3A_214 : memref<1x1x16x2048xf32, #tpu.memory_space<vmem_shared>> -> memref<16x2048xf32, #tpu.memory_space<vmem_shared>>
      tpu.enqueue_dma source(%dma_start3A_215 : memref<16x2048xf32, #tpu.memory_space<vmem_shared>>) target(%dma_start3A_211 : memref<16x2048xf32, #tpu.memory_space<hbm>>) target_semaphore(%dma_start3A_209 : memref<!tpu.dma_semaphore, #tpu.memory_space<semaphore_mem>>)
      %mul3A_216 = arith.constant 3 : i32
      %mul3A_217 = arith.muli %scan3A_91, %mul3A_216 : i32
      %add3A_218 = arith.constant 2 : i32
      %add3A_219 = arith.addi %mul3A_217, %add3A_218 : i32
      %mul3A_220 = arith.constant 16 : i32
      %mul3A_221 = arith.muli %add3A_219, %mul3A_220 : i32
      %add3A_222 = arith.addi %mul3A_2, %mul3A_221 : i32
      %dma_wait3A_223 = arith.constant 2 : i32
      %dma_wait3A_224 = arith.constant 2 : i32
      %dma_wait3A_225 = tpu.memref_slice %arg5[%dma_wait3A_224] : memref<3x!tpu.dma_semaphore, #tpu.memory_space<semaphore_mem>> -> memref<1x!tpu.dma_semaphore, #tpu.memory_space<semaphore_mem>>
      %dma_wait3A_226 = tpu.memref_squeeze %dma_wait3A_225 : memref<1x!tpu.dma_semaphore, #tpu.memory_space<semaphore_mem>> -> memref<!tpu.dma_semaphore, #tpu.memory_space<semaphore_mem>>
      %dma_wait3A_227 = arith.constant 0 : i32
      %dma_wait3A_228 = arith.constant 0 : i32
      %dma_wait3A_229 = tpu.memref_slice %arg4[%arg1, %dma_wait3A_223, %dma_wait3A_227, %dma_wait3A_228] : memref<16x3x16x2048xf32, #tpu.memory_space<vmem_shared>> -> memref<1x1x16x2048xf32, #tpu.memory_space<vmem_shared>>
      %dma_wait3A_230 = tpu.memref_squeeze %dma_wait3A_229 : memref<1x1x16x2048xf32, #tpu.memory_space<vmem_shared>> -> memref<16x2048xf32, #tpu.memory_space<vmem_shared>>
      %dma_wait3A_231 = arith.constant 0 : i32
      %dma_wait3A_232 = tpu.memref_slice %arg2[%add3A_222, %dma_wait3A_231] : memref<8192x2048xf32, #tpu.memory_space<hbm>> -> memref<16x2048xf32, #tpu.memory_space<hbm>>
      tpu.wait_dma2 semaphore(%dma_wait3A_226 : memref<!tpu.dma_semaphore, #tpu.memory_space<semaphore_mem>>) src(%dma_wait3A_232 : memref<16x2048xf32, #tpu.memory_space<hbm>>) dst(%dma_wait3A_230 : memref<16x2048xf32, #tpu.memory_space<vmem_shared>>)
      %mul3A_233 = arith.constant 16 : i32
      %mul3A_234 = arith.muli %add3A_219, %mul3A_233 : i32
      %add3A_235 = arith.addi %mul3A_2, %mul3A_234 : i32
      %dma_start3A_236 = arith.constant 2 : i32
      %dma_start3A_237 = arith.constant 2 : i32
      %dma_start3A_238 = tpu.memref_slice %arg6[%dma_start3A_237] : memref<3x!tpu.dma_semaphore, #tpu.memory_space<semaphore_mem>> -> memref<1x!tpu.dma_semaphore, #tpu.memory_space<semaphore_mem>>
      %dma_start3A_239 = tpu.memref_squeeze %dma_start3A_238 : memref<1x!tpu.dma_semaphore, #tpu.memory_space<semaphore_mem>> -> memref<!tpu.dma_semaphore, #tpu.memory_space<semaphore_mem>>
      %dma_start3A_240 = arith.constant 0 : i32
      %dma_start3A_241 = tpu.memref_slice %arg3[%add3A_235, %dma_start3A_240] : memref<8192x2048xf32, #tpu.memory_space<hbm>> -> memref<16x2048xf32, #tpu.memory_space<hbm>>
      %dma_start3A_242 = arith.constant 0 : i32
      %dma_start3A_243 = arith.constant 0 : i32
      %dma_start3A_244 = tpu.memref_slice %arg4[%arg1, %dma_start3A_236, %dma_start3A_242, %dma_start3A_243] : memref<16x3x16x2048xf32, #tpu.memory_space<vmem_shared>> -> memref<1x1x16x2048xf32, #tpu.memory_space<vmem_shared>>
      %dma_start3A_245 = tpu.memref_squeeze %dma_start3A_244 : memref<1x1x16x2048xf32, #tpu.memory_space<vmem_shared>> -> memref<16x2048xf32, #tpu.memory_space<vmem_shared>>
      tpu.enqueue_dma source(%dma_start3A_245 : memref<16x2048xf32, #tpu.memory_space<vmem_shared>>) target(%dma_start3A_241 : memref<16x2048xf32, #tpu.memory_space<hbm>>) target_semaphore(%dma_start3A_239 : memref<!tpu.dma_semaphore, #tpu.memory_space<semaphore_mem>>)
      %scan3A_246 = arith.constant 0 : i32
      scf.yield %scan3A_246 : i32
    }
    %scan3A_8 = arith.constant 5 : i32
    %add3A_9 = arith.constant 192 : i32
    %add3A_10 = arith.addi %mul3A_2, %add3A_9 : i32
    %dma_wait3A = arith.constant 0 : i32
    %dma_wait3A_11 = arith.constant 0 : i32
    %dma_wait3A_12 = tpu.memref_slice %arg6[%dma_wait3A_11] : memref<3x!tpu.dma_semaphore, #tpu.memory_space<semaphore_mem>> -> memref<1x!tpu.dma_semaphore, #tpu.memory_space<semaphore_mem>>
    %dma_wait3A_13 = tpu.memref_squeeze %dma_wait3A_12 : memref<1x!tpu.dma_semaphore, #tpu.memory_space<semaphore_mem>> -> memref<!tpu.dma_semaphore, #tpu.memory_space<semaphore_mem>>
    %dma_wait3A_14 = arith.constant 0 : i32
    %dma_wait3A_15 = tpu.memref_slice %arg3[%add3A_10, %dma_wait3A_14] : memref<8192x2048xf32, #tpu.memory_space<hbm>> -> memref<16x2048xf32, #tpu.memory_space<hbm>>
    %dma_wait3A_16 = arith.constant 0 : i32
    %dma_wait3A_17 = arith.constant 0 : i32
    %dma_wait3A_18 = tpu.memref_slice %arg4[%arg1, %dma_wait3A, %dma_wait3A_16, %dma_wait3A_17] : memref<16x3x16x2048xf32, #tpu.memory_space<vmem_shared>> -> memref<1x1x16x2048xf32, #tpu.memory_space<vmem_shared>>
    %dma_wait3A_19 = tpu.memref_squeeze %dma_wait3A_18 : memref<1x1x16x2048xf32, #tpu.memory_space<vmem_shared>> -> memref<16x2048xf32, #tpu.memory_space<vmem_shared>>
    tpu.wait_dma2 semaphore(%dma_wait3A_13 : memref<!tpu.dma_semaphore, #tpu.memory_space<semaphore_mem>>) src(%dma_wait3A_19 : memref<16x2048xf32, #tpu.memory_space<vmem_shared>>) dst(%dma_wait3A_15 : memref<16x2048xf32, #tpu.memory_space<hbm>>)
    %add3A_20 = arith.constant 240 : i32
    %add3A_21 = arith.addi %mul3A_2, %add3A_20 : i32
    %dma_start3A = arith.constant 0 : i32
    %dma_start3A_22 = arith.constant 0 : i32
    %dma_start3A_23 = tpu.memref_slice %arg5[%dma_start3A_22] : memref<3x!tpu.dma_semaphore, #tpu.memory_space<semaphore_mem>> -> memref<1x!tpu.dma_semaphore, #tpu.memory_space<semaphore_mem>>
    %dma_start3A_24 = tpu.memref_squeeze %dma_start3A_23 : memref<1x!tpu.dma_semaphore, #tpu.memory_space<semaphore_mem>> -> memref<!tpu.dma_semaphore, #tpu.memory_space<semaphore_mem>>
    %dma_start3A_25 = arith.constant 0 : i32
    %dma_start3A_26 = arith.constant 0 : i32
    %dma_start3A_27 = tpu.memref_slice %arg4[%arg1, %dma_start3A, %dma_start3A_25, %dma_start3A_26] : memref<16x3x16x2048xf32, #tpu.memory_space<vmem_shared>> -> memref<1x1x16x2048xf32, #tpu.memory_space<vmem_shared>>
    %dma_start3A_28 = tpu.memref_squeeze %dma_start3A_27 : memref<1x1x16x2048xf32, #tpu.memory_space<vmem_shared>> -> memref<16x2048xf32, #tpu.memory_space<vmem_shared>>
    %dma_start3A_29 = arith.constant 0 : i32
    %dma_start3A_30 = tpu.memref_slice %arg2[%add3A_21, %dma_start3A_29] : memref<8192x2048xf32, #tpu.memory_space<hbm>> -> memref<16x2048xf32, #tpu.memory_space<hbm>>
    tpu.enqueue_dma source(%dma_start3A_30 : memref<16x2048xf32, #tpu.memory_space<hbm>>) target(%dma_start3A_28 : memref<16x2048xf32, #tpu.memory_space<vmem_shared>>) target_semaphore(%dma_start3A_24 : memref<!tpu.dma_semaphore, #tpu.memory_space<semaphore_mem>>)
    %add3A_31 = arith.constant 240 : i32
    %add3A_32 = arith.addi %mul3A_2, %add3A_31 : i32
    %dma_wait3A_33 = arith.constant 0 : i32
    %dma_wait3A_34 = arith.constant 0 : i32
    %dma_wait3A_35 = tpu.memref_slice %arg5[%dma_wait3A_34] : memref<3x!tpu.dma_semaphore, #tpu.memory_space<semaphore_mem>> -> memref<1x!tpu.dma_semaphore, #tpu.memory_space<semaphore_mem>>
    %dma_wait3A_36 = tpu.memref_squeeze %dma_wait3A_35 : memref<1x!tpu.dma_semaphore, #tpu.memory_space<semaphore_mem>> -> memref<!tpu.dma_semaphore, #tpu.memory_space<semaphore_mem>>
    %dma_wait3A_37 = arith.constant 0 : i32
    %dma_wait3A_38 = arith.constant 0 : i32
    %dma_wait3A_39 = tpu.memref_slice %arg4[%arg1, %dma_wait3A_33, %dma_wait3A_37, %dma_wait3A_38] : memref<16x3x16x2048xf32, #tpu.memory_space<vmem_shared>> -> memref<1x1x16x2048xf32, #tpu.memory_space<vmem_shared>>
    %dma_wait3A_40 = tpu.memref_squeeze %dma_wait3A_39 : memref<1x1x16x2048xf32, #tpu.memory_space<vmem_shared>> -> memref<16x2048xf32, #tpu.memory_space<vmem_shared>>
    %dma_wait3A_41 = arith.constant 0 : i32
    %dma_wait3A_42 = tpu.memref_slice %arg2[%add3A_32, %dma_wait3A_41] : memref<8192x2048xf32, #tpu.memory_space<hbm>> -> memref<16x2048xf32, #tpu.memory_space<hbm>>
    tpu.wait_dma2 semaphore(%dma_wait3A_36 : memref<!tpu.dma_semaphore, #tpu.memory_space<semaphore_mem>>) src(%dma_wait3A_42 : memref<16x2048xf32, #tpu.memory_space<hbm>>) dst(%dma_wait3A_40 : memref<16x2048xf32, #tpu.memory_space<vmem_shared>>)
    %add3A_43 = arith.constant 240 : i32
    %add3A_44 = arith.addi %mul3A_2, %add3A_43 : i32
    %dma_start3A_45 = arith.constant 0 : i32
    %dma_start3A_46 = arith.constant 0 : i32
    %dma_start3A_47 = tpu.memref_slice %arg6[%dma_start3A_46] : memref<3x!tpu.dma_semaphore, #tpu.memory_space<semaphore_mem>> -> memref<1x!tpu.dma_semaphore, #tpu.memory_space<semaphore_mem>>
    %dma_start3A_48 = tpu.memref_squeeze %dma_start3A_47 : memref<1x!tpu.dma_semaphore, #tpu.memory_space<semaphore_mem>> -> memref<!tpu.dma_semaphore, #tpu.memory_space<semaphore_mem>>
    %dma_start3A_49 = arith.constant 0 : i32
    %dma_start3A_50 = tpu.memref_slice %arg3[%add3A_44, %dma_start3A_49] : memref<8192x2048xf32, #tpu.memory_space<hbm>> -> memref<16x2048xf32, #tpu.memory_space<hbm>>
    %dma_start3A_51 = arith.constant 0 : i32
    %dma_start3A_52 = arith.constant 0 : i32
    %dma_start3A_53 = tpu.memref_slice %arg4[%arg1, %dma_start3A_45, %dma_start3A_51, %dma_start3A_52] : memref<16x3x16x2048xf32, #tpu.memory_space<vmem_shared>> -> memref<1x1x16x2048xf32, #tpu.memory_space<vmem_shared>>
    %dma_start3A_54 = tpu.memref_squeeze %dma_start3A_53 : memref<1x1x16x2048xf32, #tpu.memory_space<vmem_shared>> -> memref<16x2048xf32, #tpu.memory_space<vmem_shared>>
    tpu.enqueue_dma source(%dma_start3A_54 : memref<16x2048xf32, #tpu.memory_space<vmem_shared>>) target(%dma_start3A_50 : memref<16x2048xf32, #tpu.memory_space<hbm>>) target_semaphore(%dma_start3A_48 : memref<!tpu.dma_semaphore, #tpu.memory_space<semaphore_mem>>)
    %add3A_55 = arith.constant 208 : i32
    %add3A_56 = arith.addi %mul3A_2, %add3A_55 : i32
    %dma_wait3A_57 = arith.constant 1 : i32
    %dma_wait3A_58 = arith.constant 1 : i32
    %dma_wait3A_59 = tpu.memref_slice %arg6[%dma_wait3A_58] : memref<3x!tpu.dma_semaphore, #tpu.memory_space<semaphore_mem>> -> memref<1x!tpu.dma_semaphore, #tpu.memory_space<semaphore_mem>>
    %dma_wait3A_60 = tpu.memref_squeeze %dma_wait3A_59 : memref<1x!tpu.dma_semaphore, #tpu.memory_space<semaphore_mem>> -> memref<!tpu.dma_semaphore, #tpu.memory_space<semaphore_mem>>
    %dma_wait3A_61 = arith.constant 0 : i32
    %dma_wait3A_62 = tpu.memref_slice %arg3[%add3A_56, %dma_wait3A_61] : memref<8192x2048xf32, #tpu.memory_space<hbm>> -> memref<16x2048xf32, #tpu.memory_space<hbm>>
    %dma_wait3A_63 = arith.constant 0 : i32
    %dma_wait3A_64 = arith.constant 0 : i32
    %dma_wait3A_65 = tpu.memref_slice %arg4[%arg1, %dma_wait3A_57, %dma_wait3A_63, %dma_wait3A_64] : memref<16x3x16x2048xf32, #tpu.memory_space<vmem_shared>> -> memref<1x1x16x2048xf32, #tpu.memory_space<vmem_shared>>
    %dma_wait3A_66 = tpu.memref_squeeze %dma_wait3A_65 : memref<1x1x16x2048xf32, #tpu.memory_space<vmem_shared>> -> memref<16x2048xf32, #tpu.memory_space<vmem_shared>>
    tpu.wait_dma2 semaphore(%dma_wait3A_60 : memref<!tpu.dma_semaphore, #tpu.memory_space<semaphore_mem>>) src(%dma_wait3A_66 : memref<16x2048xf32, #tpu.memory_space<vmem_shared>>) dst(%dma_wait3A_62 : memref<16x2048xf32, #tpu.memory_space<hbm>>)
    %add3A_67 = arith.constant 224 : i32
    %add3A_68 = arith.addi %mul3A_2, %add3A_67 : i32
    %dma_wait3A_69 = arith.constant 2 : i32
    %dma_wait3A_70 = arith.constant 2 : i32
    %dma_wait3A_71 = tpu.memref_slice %arg6[%dma_wait3A_70] : memref<3x!tpu.dma_semaphore, #tpu.memory_space<semaphore_mem>> -> memref<1x!tpu.dma_semaphore, #tpu.memory_space<semaphore_mem>>
    %dma_wait3A_72 = tpu.memref_squeeze %dma_wait3A_71 : memref<1x!tpu.dma_semaphore, #tpu.memory_space<semaphore_mem>> -> memref<!tpu.dma_semaphore, #tpu.memory_space<semaphore_mem>>
    %dma_wait3A_73 = arith.constant 0 : i32
    %dma_wait3A_74 = tpu.memref_slice %arg3[%add3A_68, %dma_wait3A_73] : memref<8192x2048xf32, #tpu.memory_space<hbm>> -> memref<16x2048xf32, #tpu.memory_space<hbm>>
    %dma_wait3A_75 = arith.constant 0 : i32
    %dma_wait3A_76 = arith.constant 0 : i32
    %dma_wait3A_77 = tpu.memref_slice %arg4[%arg1, %dma_wait3A_69, %dma_wait3A_75, %dma_wait3A_76] : memref<16x3x16x2048xf32, #tpu.memory_space<vmem_shared>> -> memref<1x1x16x2048xf32, #tpu.memory_space<vmem_shared>>
    %dma_wait3A_78 = tpu.memref_squeeze %dma_wait3A_77 : memref<1x1x16x2048xf32, #tpu.memory_space<vmem_shared>> -> memref<16x2048xf32, #tpu.memory_space<vmem_shared>>
    tpu.wait_dma2 semaphore(%dma_wait3A_72 : memref<!tpu.dma_semaphore, #tpu.memory_space<semaphore_mem>>) src(%dma_wait3A_78 : memref<16x2048xf32, #tpu.memory_space<vmem_shared>>) dst(%dma_wait3A_74 : memref<16x2048xf32, #tpu.memory_space<hbm>>)
    %add3A_79 = arith.constant 240 : i32
    %add3A_80 = arith.addi %mul3A_2, %add3A_79 : i32
    %dma_wait3A_81 = arith.constant 0 : i32
    %dma_wait3A_82 = arith.constant 0 : i32
    %dma_wait3A_83 = tpu.memref_slice %arg6[%dma_wait3A_82] : memref<3x!tpu.dma_semaphore, #tpu.memory_space<semaphore_mem>> -> memref<1x!tpu.dma_semaphore, #tpu.memory_space<semaphore_mem>>
    %dma_wait3A_84 = tpu.memref_squeeze %dma_wait3A_83 : memref<1x!tpu.dma_semaphore, #tpu.memory_space<semaphore_mem>> -> memref<!tpu.dma_semaphore, #tpu.memory_space<semaphore_mem>>
    %dma_wait3A_85 = arith.constant 0 : i32
    %dma_wait3A_86 = tpu.memref_slice %arg3[%add3A_80, %dma_wait3A_85] : memref<8192x2048xf32, #tpu.memory_space<hbm>> -> memref<16x2048xf32, #tpu.memory_space<hbm>>
    %dma_wait3A_87 = arith.constant 0 : i32
    %dma_wait3A_88 = arith.constant 0 : i32
    %dma_wait3A_89 = tpu.memref_slice %arg4[%arg1, %dma_wait3A_81, %dma_wait3A_87, %dma_wait3A_88] : memref<16x3x16x2048xf32, #tpu.memory_space<vmem_shared>> -> memref<1x1x16x2048xf32, #tpu.memory_space<vmem_shared>>
    %dma_wait3A_90 = tpu.memref_squeeze %dma_wait3A_89 : memref<1x1x16x2048xf32, #tpu.memory_space<vmem_shared>> -> memref<16x2048xf32, #tpu.memory_space<vmem_shared>>
    tpu.wait_dma2 semaphore(%dma_wait3A_84 : memref<!tpu.dma_semaphore, #tpu.memory_space<semaphore_mem>>) src(%dma_wait3A_90 : memref<16x2048xf32, #tpu.memory_space<vmem_shared>>) dst(%dma_wait3A_86 : memref<16x2048xf32, #tpu.memory_space<hbm>>)
    return
  }
}

</mosaic_0001>

<sc_bundles>
// kernel: kernel.3.cloned.1.call-start
scs
__scs_entry_jumppad:
0x0: {  	(pc) =	sbr.rel $0x88, $3  }
0x1: {  	(tag) =	ssettag $0x0;
	lr =	simm.s32 $0x1  }
0x2: {  	[smem:$0x3FA0] =	sst lr;
	_ =	strace $0xD0000000  }
0x3: {  	_ = 	snop  }
0x4: {  	_ = 	snop  }
0x5: {  	_ = 	snop  }
0x6: {  	_ = 	snop  }
0x7: {  	_ = 	snop  }
__scs_overlays_trampoline_lowered:
0x8: {  	[smem:$0x3FAF] =	sst s0  }
0x9: {  	[smem:$0x3FB0] =	sst s1  }
0xa: {  	[smem:$0x3FB1] =	sst s2  }
0xb: {  	[smem:$0x3FB2] =	sst s3  }
0xc: {  	[smem:$0x3FB3] =	sst s4  }
0xd: {  	[smem:$0x3FB4] =	sst s5  }
0xe: {  	[smem:$0x3FB5] =	sst s6  }
0xf: {  	[smem:$0x3FB6] =	sst s7  }
0x10: {  	[smem:$0x3FB7] =	sst s8  }
0x11: {  	[smem:$0x3FB8] =	sst s9;
	s0 =	simm.s32 @!p0 $0x0  }
0x12: {  	s1 =	sld [smem:$0x3F9E];
	s0 =	simm.s32 @p0 $0x1  }
0x13: {  	[smem:$0x3FB9] =	sst s0;
	s0 =	simm.s32 @!p1 $0x0  }
0x14: {  	s2 =	sld [smem:$0x3F9D];
	s0 =	simm.s32 @p1 $0x1  }
0x15: {  	[smem:$0x3FBA] =	sst s0;
	s0 =	simm.s32 @!p2 $0x0  }
0x16: {  	s3 =	sld [smem:$0x3FDB];
	s0 =	simm.s32 @p2 $0x1  }
0x17: {  	s4 =	simm.s32 $0x1BF5;
	[smem:$0x3FBC] =	sst s0  }
0x18: {  	s0 =	sld [smem:$0x3F9F];
	_ =	swait.ge [sflag:s4], $0x0  }
0x19: {  	s7 =	sld [smem:$0x3FA0]  }
0x1a: {  	s8 =	sadd.s32 $0xFFFFE003, lr  }
0x1b: {  	s9 =	sadd.s32 $0xFFFFFEF7, lr;
	s5 =	simm.s32 $0xFFFFFFFF;
	p2 =	slt.u32 s8, $0xFFFFF086  }
0x1c: {  	p1 =	slt.u32 s9, $0xF7A;
	s5 =	simm.s32 @!p2 $0x0  }
0x1d: {  	s5 =	simm.s32 @p1 $0x1;
	p0 =	seq.s32 s7, s2  }
0x1e: {  	s7 =	smul.u32 @!p0 $0xF7A, s2;
	p2 =	seq.s32 @!p0 s5, $0x0  }
0x1f: {  	s9 =	smul.u32 $0xF7A, s1;
	s8 =	simm.s32 @!p0 $0x1BF5;
	p2 =	por !p2, p0  }
0x20: {  	[sflag:s8] =	ssyncset.s32 @!p0 $0xFFFFF086;
	s6 =	sadd.s32 @!p0 s3, s7;
	s7 =	simm.s32 @!p0 $0x108  }
0x21: {  	s3 =	sadd.s32 s3, s9;
	s6 =	sadd.s32 @!p0 $0x88, s6;
	s7 =	simm.s32 @p2 $0x1082  }
0x22: {  	[simem:s7], [sflag:s8] =	dma.local @!p0 [hbm:s6], $0xF7A  }
0x23: {  	s9 =	sor.u32 $0xD0000000, s2;
	s6 =	simm.s32 $0x108;
	_ =	swait.ge @!p0 [sflag:s8], $0x0  }
0x24: {  	s3 =	sadd.s32 $0x88, s3;
	s6 =	simm.s32 @!p1 $0x1082;
	[sflag:s4] =	ssyncset.s32 $0xFFFFF086  }
0x25: {  	[simem:s6], [sflag:s4] =	dma.local [hbm:s3], $0xF7A  }
0x26: {  	[smem:$0x3FA0] =	sst s1;
	(tag) =	ssettag s2;
	_ =	strace s9  }
0x27: {  	s1 =	sld [smem:$0x3FB0]  }
0x28: {  	s2 =	sld [smem:$0x3FB1]  }
0x29: {  	s4 =	sld [smem:$0x3FB3]  }
0x2a: {  	p0 =	seq.s32 s5, $0x0;
	s5 =	sld [smem:$0x3FB4]  }
0x2b: {  	s6 =	sld [smem:$0x3FB5]  }
0x2c: {  	s7 =	sld [smem:$0x3FB6]  }
0x2d: {  	s3 =	simm.s32 $0x108;
	s8 =	sld [smem:$0x3FB7]  }
0x2e: {  	s3 =	simm.s32 @!p0 $0x1082;
	s9 =	sld [smem:$0x3FB8]  }
0x2f: {  	lr =	sadd.s32 s0, s3;
	s0 =	sld [smem:$0x3FAF]  }
0x30: {  	s3 =	sld [smem:$0x3FB2]  }
0x31: {  	[smem:$0x3FBB] =	sst s10  }
0x32: {  	s10 =	sld [smem:$0x3FB9];
	_ =	sdelay $0x3  }
0x33: {  	p0 =	seq.s32 s10, $0x1;
	s10 =	sld [smem:$0x3FBB];
	_ =	sdelay $0x3  }
0x34: {  	[smem:$0x3FBB] =	sst s10  }
0x35: {  	s10 =	sld [smem:$0x3FBA];
	_ =	sdelay $0x3  }
0x36: {  	p1 =	seq.s32 s10, $0x1;
	s10 =	sld [smem:$0x3FBB];
	_ =	sdelay $0x3  }
0x37: {  	[smem:$0x3FBB] =	sst s10  }
0x38: {  	s10 =	sld [smem:$0x3FBC]  }
0x39: {  	_ = 	snop;
	(pc) =	sbr.ind lr, $3  }
0x3a: {  	_ = 	snop  }
0x3b: {  	_ = 	snop  }
0x3c: {  	p2 =	seq.s32 s10, $0x1;
	s10 =	sld [smem:$0x3FBB]  }
0x3d: {  	_ =	shalt  }
0x3e: {  	_ =	shalt  }
0x3f: {  	_ =	shalt  }
0x40: {  	_ =	shalt  }
0x41: {  	_ =	shalt  }
0x42: {  	_ =	shalt  }
0x43: {  	_ =	shalt  }
0x44: {  	_ =	shalt  }
0x45: {  	_ =	shalt  }
0x46: {  	_ =	shalt  }
0x47: {  	_ =	shalt  }
0x48: {  	_ =	shalt  }
0x49: {  	_ =	shalt  }
0x4a: {  	_ =	shalt  }
0x4b: {  	_ =	shalt  }
0x4c: {  	_ =	shalt  }
0x4d: {  	_ =	shalt  }
0x4e: {  	_ =	shalt  }
0x4f: {  	_ =	shalt  }
0x50: {  	_ =	shalt  }
0x51: {  	_ =	shalt  }
0x52: {  	_ =	shalt  }
0x53: {  	_ =	shalt  }
0x54: {  	_ =	shalt  }
0x55: {  	_ =	shalt  }
0x56: {  	_ =	shalt  }
0x57: {  	_ =	shalt  }
0x58: {  	_ =	shalt  }
0x59: {  	_ =	shalt  }
0x5a: {  	_ =	shalt  }
0x5b: {  	_ =	shalt  }
0x5c: {  	_ =	shalt  }
0x5d: {  	_ =	shalt  }
0x5e: {  	_ =	shalt  }
0x5f: {  	_ =	shalt  }
0x60: {  	_ =	shalt  }
0x61: {  	_ =	shalt  }
0x62: {  	_ =	shalt  }
0x63: {  	_ =	shalt  }
0x64: {  	_ =	shalt  }
0x65: {  	_ =	shalt  }
0x66: {  	_ =	shalt  }
0x67: {  	_ =	shalt  }
0x68: {  	_ =	shalt  }
0x69: {  	_ =	shalt  }
0x6a: {  	_ =	shalt  }
0x6b: {  	_ =	shalt  }
0x6c: {  	_ =	shalt  }
0x6d: {  	_ =	shalt  }
0x6e: {  	_ =	shalt  }
0x6f: {  	_ =	shalt  }
0x70: {  	_ =	shalt  }
0x71: {  	_ =	shalt  }
0x72: {  	_ =	shalt  }
0x73: {  	_ =	shalt  }
0x74: {  	_ =	shalt  }
0x75: {  	_ =	shalt  }
0x76: {  	_ =	shalt  }
0x77: {  	_ =	shalt  }
0x78: {  	_ =	shalt  }
0x79: {  	_ =	shalt  }
0x7a: {  	_ =	shalt  }
0x7b: {  	_ =	shalt  }
0x7c: {  	_ =	shalt  }
0x7d: {  	_ =	shalt  }
0x7e: {  	_ =	shalt  }
0x7f: {  	_ =	shalt  }
0x80: {  	_ =	shalt  }
0x81: {  	_ =	shalt  }
0x82: {  	_ =	shalt  }
0x83: {  	_ =	shalt  }
0x84: {  	_ =	shalt  }
0x85: {  	_ =	shalt  }
0x86: {  	_ =	shalt  }
0x87: {  	_ =	shalt  }
.Lfunc_end0:
.L_simem_size_0:
called_computation_lowered:
.L_overlay_start_0:
0x88: {  	s2 =	sld [smem:$0x3FD9]  }
0x89: {  	s3 =	sld [smem:$0x3FFE];
	_ =	sdelay $0x1  }
0x8a: {  	s1 =	srdreg.scid  }
0x8b: {  	s0 =	sand.u32 $0x1, s1  }
0x8c: {  	s18 =	sshll.u32 s0, $0xA;
	s2 =	sadd.s32 s3, s2  }
0x8d: {  	s2 =	sadd.s32 s2, s18  }
0x8e: {  	[smem:$0x3FC7] =	sst s2  }
0x8f: {  	_ = 	snop  }
0x90: {  	s2 =	sld [smem:$0x3FC9]  }
0x91: {  	s19 =	sld [smem:$0x3FD0];
	(tm) =	ssettm $0x1  }
0x92: {  	s4 =	sld [smem:$0x3FFB];
	_ =	sdelay $0x3  }
0x93: {  	_ =	strace s4  }
0x94: {  	s4 =	sld [smem:$0x3FFC];
	_ =	sdelay $0x3  }
0x95: {  	_ =	strace s4  }
0x96: {  	s4 =	sld [smem:$0x3FFD];
	_ =	sdelay $0x3  }
0x97: {  	_ =	strace s4  }
0x98: {  	_ =	strace $0x8FFFFFFF  }
0x99: {  	s20 =	sld [smem:$0x3FDB];
	_ =	sdelay $0x1  }
0x9a: {  	s5 =	simm.s32 $_scs_section_size  }
0x9b: {  	s6 =	simm.s32 $_size__tile_overlayer_lowered;
	s7 =	simm.s32 $_tile_overlayer_lowered  }
0x9c: {  	s23 =	simm.s32 $0x1BFF;
	s22 =	sshll.u32 s7, $0x1;
	s4 =	sadd.s32 s5, s20  }
0x9d: {  	s8 =	simm.s32 $0x0;
	s21 =	sshll.u32 s6, $0x1;
	s6 =	sadd.s32 s22, s4  }
0x9e: {  	[timem:s8], [sflag:s23] =	dma.local [hbm:s6], s21  }
0x9f: {  	_ =	swait.ge [sflag:s23], s21  }
0xa0: {  	s5 =	ssub.s32 $0x0, s21;
	[sflag:s23] =	ssyncset.done $0x0  }
0xa1: {  	[sflag:s23] =	ssyncadd.s32 s5;
	_ =	sdelay $0x1  }
0xa2: {  	s24 =	simm.s32 $0x1B8B  }
0xa3: {  	_ =	swait.ge [sflag:s24], $0x1  }
0xa4: {  	[sflag:s24] =	ssyncset.done $0x0  }
0xa5: {  	s25 =	simm.s32 $0x1B8E;
	[sflag:s24] =	ssyncadd.s32 $0xFFFFFFFF  }
0xa6: {  	s26 =	simm.s32 $execute0_lowered;
	[smem:$0x3FD2] =	sst s25  }
0xa7: {  	s5 =	sshll.u32 s26, $0x1;
	_ =	strace $0x80000046;
	[dreg:$0x1] =	wrdreg $0xFFFFFFFF  }
0xa8: {  	s28 =	simm.s32 $_size_execute0_lowered;
	s4 =	sadd.s32 s4, s5;
	[dreg:$0x0] =	wrdreg $0x0  }
0xa9: {  	s5 =	sshll.u32 s28, $0x1;
	[dreg:$0x2] =	wrdreg s4  }
0xaa: {  	[dreg:$0x3] =	wrdreg s5  }
0xab: {  	[dreg:$0x4] =	wrdreg $0xC0  }
0xac: {  	_ =	task [dreg:s8], $0x5FFFF  }
0xad: {  	[dreg:$0x1] =	wrdreg $0xFFFFFFFF  }
0xae: {  	[dreg:$0x0] =	wrdreg $0x60  }
0xaf: {  	[dreg:$0x2] =	wrdreg s2  }
0xb0: {  	[dreg:$0x3] =	wrdreg s19  }
0xb1: {  	[dreg:$0x4] =	wrdreg $0x0  }
0xb2: {  	[dreg:$0x5] =	wrdreg $0x9  }
0xb3: {  	_ =	task.clear_ibuf [dreg:s8], $0x6FFFF;
	_ =	strace $0x90000046  }
0xb4: {  	s29 =	simm.s32 $0x9;
	_ =	strace $0x80000048  }
0xb5: {  	_ =	swait.ge [sflag:s29], $0x1  }
0xb6: {  	[sflag:s29] =	ssyncadd.s32 $0xFFFFFFFF  }
0xb7: {  	_ =	strace $0x90000048  }
0xb8: {  	_ =	sfence  }
0xb9: {  	s30 =	sld [smem:$0x0];
	_ =	sdelay $0x2  }
0xba: {  	s31 =	sshll.u32 s1, $0xD;
	s1 =	sshrl.u32 s1, $0x2  }
0xbb: {  	s3 =	sand.u32 $0x4000, s31;
	s1 =	sadd.s32 s1, s30  }
0xbc: {  	s0 =	sor.u32 s3, s0;
	s1 =	sshll.u32 s1, $0x11  }
0xbd: {  	s0 =	sor.u32 s1, s0  }
0xbe: {  	s0 =	sadd.s32 $0x8F2B, s0  }
0xbf: {  	[sflag:s0] =	ssyncadd.remote.s32 $0x1  }
0xc0: {  	_ =	sfence.sel $0xFFFF  }
0xc1: {  	[dreg:$0x0] =	wrdreg $0xFFFFFFFF;
	(pc) =	sbr.abs _section_cstart, $3  }
0xc2: {  	[dreg:$0x1] =	wrdreg $0xFFFFFFFF  }
0xc3: {  	_ =	task.clear_ibuf [dreg:s8], $0x2FFFF;
	_ =	strace $0x9FFFFFFF  }
0xc4: {  	(tm) =	ssettm $0x7FFFFFFF  }
0xc5: {  	_ =	shalt  }
tec
execute0_lowered:
.L_overlay_start_1:
0x0: {  	(tag) =	ssettag $0x1  }
0x1: {  	s0 =	rddreg [dreg:$0x0]  }
0x2: {  	s1 =	rddreg [dreg:$0x1]  }
0x3: {  	s3 =	rddreg [dreg:$0x2];
	s2 =	simm.s32 $0x0  }
0x4: {  	s4 =	srdreg.scid;
	s8 =	stileid.u32;
	s20 =	simm.s32 $0x1  }
0x5: {  	s21 =	simm.s32 $0x2;
	s22 =	simm.s32 $0x3;
	s23 =	simm.s32 $0x4  }
0x6: {  	s24 =	simm.s32 $0x5;
	s25 =	simm.s32 $0x6;
	[smem:$0x7FF] =	sst s2  }
0x7: {  	s4 =	sand.u32 $0x1, s4;
	s5 =	smul.u32 $0x60000, s8;
	s14 =	sshll.u32 s8, $0x11  }
0x8: {  	s8 =	sshll.u32 s8, $0x6;
	_ =	strace $0x80000047;
	s6 =	ssub.s32 $0x2, s4  }
0x9: {  	s16 =	sshll.u32 s4, $0x10;
	s9 =	sor.u32 $0x1C01, s8;
	s18 =	sadd.s32 s14, s1  }
0xa: {  	s5 =	sshrl.u32 s5, $0x2;
	s29 =	sshrl.u32 s6, $0x1;
	s12 =	sor.u32 s16, s14  }
0xb: {  	s17 =	sadd.s32 s5, s3;
	s6 =	ssub.s32 s6, s29;
	s30 =	sor.u32 $0xF000, s12  }
0xc: {  	s7 =	sadd.s32 s0, s12;
	s13 =	sor.u32 $0x1000, s12;
	s15 =	sor.u32 $0x2000, s12  }
0xd: {  	s12 =	sadd.s32 s1, s12;
	s19 =	sadd.s32 $0x8000, s17;
	s3 =	sadd.s32 $0x10000, s17  }
0xe: {  	s31 =	sadd.s32 s0, s30;
	s5 =	sadd.s32 s1, s30;
	s6 =	smax.u32 s6, $0x1  }
0xf: {  	s10 =	sadd.s32 s0, s13;
	s11 =	sadd.s32 s0, s15;
	s13 =	sadd.s32 s1, s13  }
0x10: {  	s0 =	sadd.s32 s14, s0;
	s14 =	sadd.s32 s1, s15;
	[dreg:$0x4] =	wrdreg s3  }
0x11: {  	s17 =	sshrl.u32 s17, $0x3;
	[dreg:$0x5] =	wrdreg s31;
	s15 =	sadd.s32 s16, s0  }
0x12: {  	s16 =	sadd.s32 s16, s18;
	s18 =	sor.u32 $0x1C02, s8;
	s19 =	sshrl.u32 s19, $0x3  }
.LBB2_1:
0x13: {  	[spmem:s17], [sflag:s9] =	dma.local [hbm:s7], $0x1000  }
0x14: {  	[spmem:s19], [sflag:s18] =	dma.local [hbm:s10], $0x1000  }
0x15: {  	s0 =	rddreg [dreg:$0x4]  }
0x16: {  	s29 =	sor.u32 $0x1C03, s8;
	s28 =	sshrl.u32 s0, $0x3  }
0x17: {  	[spmem:s28], [sflag:s29] =	dma.local [hbm:s11], $0x1000  }
0x18: {  	_ =	swait.ge [sflag:s20], $0x1000  }
0x19: {  	[sflag:s20] =	ssyncset.done $0x0  }
0x1a: {  	s26 =	sor.u32 $0x1C04, s8;
	[sflag:s20] =	ssyncadd.s32 $0xFFFFF000  }
0x1b: {  	[hbm:s12], [sflag:s26] =	dma.local [spmem:s17], $0x1000  }
0x1c: {  	_ =	swait.ge [sflag:s21], $0x1000  }
0x1d: {  	[sflag:s21] =	ssyncset.done $0x0  }
0x1e: {  	s30 =	sor.u32 $0x1C05, s8;
	[sflag:s21] =	ssyncadd.s32 $0xFFFFF000  }
0x1f: {  	[hbm:s13], [sflag:s30] =	dma.local [spmem:s19], $0x1000  }
0x20: {  	_ =	swait.ge [sflag:s22], $0x1000  }
0x21: {  	[sflag:s22] =	ssyncset.done $0x0  }
0x22: {  	s31 =	sor.u32 $0x1C06, s8;
	[sflag:s22] =	ssyncadd.s32 $0xFFFFF000  }
0x23: {  	[hbm:s14], [sflag:s31] =	dma.local [spmem:s28], $0x1000  }
0x24: {  	_ =	swait.ge [sflag:s23], $0x1000  }
0x25: {  	s3 =	sadd.s32 $0x0, s15;
	[sflag:s23] =	ssyncset.done $0x0  }
0x26: {  	s1 =	sadd.s32 $0x3000, s3;
	[sflag:s23] =	ssyncadd.s32 $0xFFFFF000  }
0x27: {  	[spmem:s17], [sflag:s9] =	dma.local [hbm:s1], $0x1000  }
0x28: {  	_ =	swait.ge [sflag:s24], $0x1000  }
0x29: {  	[sflag:s24] =	ssyncset.done $0x0  }
0x2a: {  	s4 =	sadd.s32 $0x4000, s3;
	[sflag:s24] =	ssyncadd.s32 $0xFFFFF000  }
0x2b: {  	[spmem:s19], [sflag:s18] =	dma.local [hbm:s4], $0x1000  }
0x2c: {  	_ =	swait.ge [sflag:s25], $0x1000  }
0x2d: {  	[sflag:s25] =	ssyncset.done $0x0  }
0x2e: {  	s0 =	sadd.s32 $0x5000, s3;
	[sflag:s25] =	ssyncadd.s32 $0xFFFFF000  }
0x2f: {  	[spmem:s28], [sflag:s29] =	dma.local [hbm:s0], $0x1000  }
0x30: {  	_ =	swait.ge [sflag:s20], $0x1000  }
0x31: {  	s1 =	sadd.s32 $0x0, s16;
	[sflag:s20] =	ssyncset.done $0x0  }
0x32: {  	s3 =	sadd.s32 $0x3000, s1;
	[sflag:s20] =	ssyncadd.s32 $0xFFFFF000  }
0x33: {  	[hbm:s3], [sflag:s26] =	dma.local [spmem:s17], $0x1000  }
0x34: {  	_ =	swait.ge [sflag:s21], $0x1000  }
0x35: {  	[sflag:s21] =	ssyncset.done $0x0  }
0x36: {  	s4 =	sadd.s32 $0x4000, s1;
	[sflag:s21] =	ssyncadd.s32 $0xFFFFF000  }
0x37: {  	[hbm:s4], [sflag:s30] =	dma.local [spmem:s19], $0x1000  }
0x38: {  	_ =	swait.ge [sflag:s22], $0x1000  }
0x39: {  	[sflag:s22] =	ssyncset.done $0x0  }
0x3a: {  	s1 =	sadd.s32 $0x5000, s1;
	s0 =	simm.s32 $0x3000;
	[sflag:s22] =	ssyncadd.s32 $0xFFFFF000  }
.LBB2_2:
0x3b: {  	[hbm:s1], [sflag:s31] =	dma.local [spmem:s28], $0x1000  }
0x3c: {  	s1 =	smov.u32 s0  }
0x3d: {  	p0 =	sne.s32 s0, $0x9000;
	s0 =	sadd.s32 $0x3000, s0;
	_ =	swait.ge [sflag:s23], $0x1000  }
0x3e: {  	s3 =	sadd.s32 s1, s15;
	[sflag:s23] =	ssyncset.done $0x0  }
0x3f: {  	s4 =	sadd.s32 $0x3000, s3;
	[sflag:s23] =	ssyncadd.s32 $0xFFFFF000  }
0x40: {  	[spmem:s17], [sflag:s9] =	dma.local [hbm:s4], $0x1000  }
0x41: {  	_ =	swait.ge [sflag:s24], $0x1000  }
0x42: {  	[sflag:s24] =	ssyncset.done $0x0  }
0x43: {  	s4 =	sadd.s32 $0x4000, s3;
	[sflag:s24] =	ssyncadd.s32 $0xFFFFF000  }
0x44: {  	[spmem:s19], [sflag:s18] =	dma.local [hbm:s4], $0x1000  }
0x45: {  	_ =	swait.ge [sflag:s25], $0x1000  }
0x46: {  	[sflag:s25] =	ssyncset.done $0x0  }
0x47: {  	s3 =	sadd.s32 $0x5000, s3;
	[sflag:s25] =	ssyncadd.s32 $0xFFFFF000  }
0x48: {  	[spmem:s28], [sflag:s29] =	dma.local [hbm:s3], $0x1000  }
0x49: {  	_ =	swait.ge [sflag:s20], $0x1000  }
0x4a: {  	s1 =	sadd.s32 s1, s16;
	[sflag:s20] =	ssyncset.done $0x0  }
0x4b: {  	s3 =	sadd.s32 $0x3000, s1;
	[sflag:s20] =	ssyncadd.s32 $0xFFFFF000  }
0x4c: {  	[hbm:s3], [sflag:s26] =	dma.local [spmem:s17], $0x1000  }
0x4d: {  	_ =	swait.ge [sflag:s21], $0x1000  }
0x4e: {  	[sflag:s21] =	ssyncset.done $0x0  }
.Ltmp0:
0x4f: {  	s3 =	sadd.s32 $0x4000, s1;
	[sflag:s21] =	ssyncadd.s32 $0xFFFFF000;
	(pc) =	sbr.rel @p0 .LBB2_2-.Ltmp0, $4  }
0x50: {  	[hbm:s3], [sflag:s30] =	dma.local [spmem:s19], $0x1000  }
0x51: {  	_ =	swait.ge [sflag:s22], $0x1000  }
0x52: {  	[sflag:s22] =	ssyncset.done $0x0  }
0x53: {  	s1 =	sadd.s32 $0x5000, s1;
	[sflag:s22] =	ssyncadd.s32 $0xFFFFF000  }
0x54: {  	[hbm:s1], [sflag:s31] =	dma.local [spmem:s28], $0x1000  }
0x55: {  	_ =	swait.ge [sflag:s23], $0x1000  }
0x56: {  	[sflag:s23] =	ssyncset.done $0x0  }
0x57: {  	s0 =	rddreg [dreg:$0x5];
	[sflag:s23] =	ssyncadd.s32 $0xFFFFF000  }
0x58: {  	[spmem:s17], [sflag:s9] =	dma.local [hbm:s0], $0x1000  }
0x59: {  	_ =	swait.ge [sflag:s20], $0x1000  }
0x5a: {  	[sflag:s20] =	ssyncset.done $0x0  }
0x5b: {  	[sflag:s20] =	ssyncadd.s32 $0xFFFFF000  }
0x5c: {  	[hbm:s5], [sflag:s26] =	dma.local [spmem:s17], $0x1000  }
0x5d: {  	_ =	swait.ge [sflag:s24], $0x1000  }
0x5e: {  	[sflag:s24] =	ssyncset.done $0x0  }
0x5f: {  	s2 =	sadd.s32 $0x1, s2;
	[sflag:s24] =	ssyncadd.s32 $0xFFFFF000  }
0x60: {  	p0 =	sne.s32 s2, s6;
	_ =	swait.ge [sflag:s25], $0x1000  }
.Ltmp1:
0x61: {  	[sflag:s25] =	ssyncset.done $0x0;
	(pc) =	sbr.rel @p0 .LBB2_1-.Ltmp1, $4  }
0x62: {  	[sflag:s25] =	ssyncadd.s32 $0xFFFFF000  }
0x63: {  	_ =	swait.ge [sflag:s23], $0x1000  }
0x64: {  	[sflag:s23] =	ssyncset.done $0x0  }
0x65: {  	[sflag:s23] =	ssyncadd.s32 $0xFFFFF000  }
0x66: {  	_ =	sfence.sel $0x180000  }
0x67: {  	[bflag:$0x0] =	sbarrier.arrive $0xFFFF  }
0x68: {  	_ =	strace $0x90000047  }
0x69: {  	s0 =	stileid.u32;
	[bflag:$0x2] =	sbarrier.arrive $0xFFFF  }
0x6a: {  	p0 =	sne.s32 s0, $0x0;
	s0 =	rddreg [dreg:$0x3]  }
0x6b: {  	s0 =	sadd.s32 @!p0 $0x100000, s0  }
0x6c: {  	[sflag:s0] =	ssyncadd.tile.s32 @!p0 $0x1;
	_ =	shalt  }
.Lfunc_end2:
_tile_overlayer_lowered:
.L_overlay_start_2:
0x6d: {  	(tag) =	ssettag $0x2  }
0x6e: {  	s0 =	rddreg [dreg:$0x0];
	s2 =	stileid.u32  }
0x6f: {  	s1 =	rddreg [dreg:$0x1];
	p0 =	sne.s32 s2, $0x0  }
0x70: {  	s3 =	rddreg [dreg:$0x2];
	[bflag:$0x3] =	sbarrier.arrive $0xFFFF;
	s2 =	simm.s32 @!p0 $0x1C07  }
0x71: {  	[timem:s3], [sflag:s2] =	dma.local @!p0 [hbm:s0], s1  }
0x72: {  	s0 =	simm.s32 @!p0 $0x7  }
0x73: {  	_ =	swait.ge @!p0 [sflag:s0], s1  }
0x74: {  	s1 =	ssub.s32 @!p0 $0x0, s1;
	[sflag:s0] =	ssyncset.done @!p0 $0x0  }
0x75: {  	[sflag:s0] =	ssyncadd.s32 @!p0 s1  }
0x76: {  	[bflag:$0x3] =	sbarrier.arrive $0xFFFF  }
0x77: {  	_ =	shalt  }

</sc_bundles>
